<compile_context>
chip_gen: v7x
topology: tpu7x:2x2x1
jax: 0.10.2.dev20260603
libtpu: 0.0.44.dev20260713+nightly
codegen_flags: <defaults>
</compile_context>

<pallas_src>
import math

import jax
import jax.numpy as jnp
from jax import lax
from jax.experimental import pallas as pl
from jax.experimental.pallas import tpu as pltpu
from jax.experimental.pallas import tpu_sc as plsc

_EMB = 128
_SCALE = math.sqrt(_EMB)
_K = 128
_NBUF = 5


def _scale_body(t_ref, o_ref):
    o_ref[...] = t_ref[...] * _SCALE


def _scale_table(table):
    rows = table.shape[0]
    blk = 10000
    return pl.pallas_call(
        _scale_body,
        grid=(rows // blk,),
        in_specs=[pl.BlockSpec((blk, _EMB), lambda i: (i, 0))],
        out_specs=pl.BlockSpec((blk, _EMB), lambda i: (i, 0)),
        out_shape=jax.ShapeDtypeStruct(table.shape, table.dtype),
    )(table)


def _sc_gather(table, flat_idx):
    n = flat_idx.shape[0]
    mesh = plsc.VectorSubcoreMesh(core_axis_name="c", subcore_axis_name="s")
    nw = 32
    per_w = n // nw
    nch = per_w // _K
    nrounds = nch // _NBUF
    assert nch % _NBUF == 0

    @pl.kernel(
        out_type=jax.ShapeDtypeStruct((n, _EMB), table.dtype),
        mesh=mesh,
        scratch_types=[
            pltpu.VMEM((per_w,), jnp.int32),
            *[pltpu.VMEM((_K, _EMB), jnp.float32) for _ in range(_NBUF)],
            pltpu.SemaphoreType.DMA,
            *[pltpu.SemaphoreType.DMA for _ in range(_NBUF)],
            *[pltpu.SemaphoreType.DMA for _ in range(_NBUF)],
        ],
    )
    def k(tab_hbm, i_hbm, o_hbm, idx_v, *rest):
        bufs = rest[:_NBUF]
        isem = rest[_NBUF]
        gsems = rest[_NBUF + 1 : 2 * _NBUF + 1]
        wsems = rest[2 * _NBUF + 1 :]
        wid = lax.axis_index("s") * 2 + lax.axis_index("c")
        base = wid * per_w
        pltpu.async_copy(i_hbm.at[pl.ds(base, per_w)], idx_v, isem).wait()

        def issue_gather(g, b):
            pltpu.async_copy(
                tab_hbm.at[idx_v.at[pl.ds(g * _K, _K)]], bufs[b], gsems[b]
            )

        def issue_write(g, b):
            pltpu.async_copy(
                bufs[b], o_hbm.at[pl.ds(base + g * _K, _K)], wsems[b]
            )

        def wait_gather(b):
            pltpu.make_async_copy(tab_hbm.at[pl.ds(0, _K)], bufs[b], gsems[b]).wait()

        def wait_write(b):
            pltpu.make_async_copy(bufs[b], o_hbm.at[pl.ds(base, _K)], wsems[b]).wait()

        @pl.loop(0, nrounds)
        def _(r):
            for b in range(_NBUF):
                @pl.when(r > 0)
                def _():
                    wait_gather(b)
                issue_gather(r * _NBUF + b, b)

        for b in range(_NBUF):
            wait_gather(b)

    return k(table, flat_idx)


def kernel(tokens, table):
    scaled = _scale_table(table)
    flat = tokens.reshape(-1).astype(jnp.int32)
    out = _sc_gather(scaled, flat)
    return out.reshape(*tokens.shape, _EMB)

# --- scband reference (transcript-rebuilt; emitter-appended) ---
"""Pipeline reference for scband-token-embedding-37005438222630 (READ-ONLY COPY).

The authoritative reference and input builder live on the scoring server;
editing this copy changes nothing except your own understanding.
"""

import jax, jax.numpy as jnp
import numpy as np
import math

VOCAB = 100000
EMB = 128

def setup_inputs(seed: int = 0) -> dict:
    key = jax.random.key(seed)
    k1, k2 = jax.random.split(key)
    tokens = jax.random.randint(k1, (4096, 200), 0, VOCAB, dtype=jnp.int64 if jax.config.jax_enable_x64 else jnp.int32)
    table = jax.random.normal(k2, (VOCAB, EMB), dtype=jnp.float32)
    return {"tokens": tokens, "table": table}

def reference(tokens, table):
    emb = jnp.take(table, tokens, axis=0)
    return emb * math.sqrt(EMB)

if __name__ == "__main__":
    import jax
    _d = setup_inputs()
    print(jax.jit(kernel)(*tuple(_d.values())))

</pallas_src>

<mosaic_0001>
#map = affine_map<(d0, d1) -> (0, 0)>
#map1 = affine_map<(d0, d1) -> (0)>
module attributes {stable_mosaic.version = 14 : i64} {
  func.func @k(%arg0: i32, %arg1: i32, %arg2: memref<100000x128xf32, #tpu.memory_space<hbm>>, %arg3: memref<819200xi32, #tpu.memory_space<hbm>>, %arg4: memref<819200x128xf32, #tpu.memory_space<hbm>>, %arg5: memref<25600xi32, #tpu.memory_space<vmem>>, %arg6: memref<128x128xf32, #tpu.memory_space<vmem>>, %arg7: memref<128x128xf32, #tpu.memory_space<vmem>>, %arg8: memref<128x128xf32, #tpu.memory_space<vmem>>, %arg9: memref<128x128xf32, #tpu.memory_space<vmem>>, %arg10: memref<128x128xf32, #tpu.memory_space<vmem>>, %arg11: memref<!tpu.dma_semaphore, #tpu.memory_space<semaphore_mem>>, %arg12: memref<!tpu.dma_semaphore, #tpu.memory_space<semaphore_mem>>, %arg13: memref<!tpu.dma_semaphore, #tpu.memory_space<semaphore_mem>>, %arg14: memref<!tpu.dma_semaphore, #tpu.memory_space<semaphore_mem>>, %arg15: memref<!tpu.dma_semaphore, #tpu.memory_space<semaphore_mem>>, %arg16: memref<!tpu.dma_semaphore, #tpu.memory_space<semaphore_mem>>, %arg17: memref<!tpu.dma_semaphore, #tpu.memory_space<semaphore_mem>>, %arg18: memref<!tpu.dma_semaphore, #tpu.memory_space<semaphore_mem>>, %arg19: memref<!tpu.dma_semaphore, #tpu.memory_space<semaphore_mem>>, %arg20: memref<!tpu.dma_semaphore, #tpu.memory_space<semaphore_mem>>, %arg21: memref<!tpu.dma_semaphore, #tpu.memory_space<semaphore_mem>>) attributes {dimension_semantics = [#tpu.dimension_semantics<core_parallel>, #tpu.dimension_semantics<subcore_parallel>], iteration_bounds = array<i64: 2, 16>, scalar_prefetch = 0 : i64, scratch_operands = 17 : i64, tpu.core_type = #tpu.core_type<sc_vector_subcore>, window_params = [{transform_indices = #map}, {transform_indices = #map1}, {transform_indices = #map}]} {
    %mul3A = arith.constant 2 : i32
    %mul3A_0 = arith.muli %arg1, %mul3A : i32
    %add3A = arith.addi %mul3A_0, %arg0 : i32
    %mul3A_1 = arith.constant 25600 : i32
    %mul3A_2 = arith.muli %add3A, %mul3A_1 : i32
    %dma_start3A = tpu.memref_slice %arg3[%mul3A_2] : memref<819200xi32, #tpu.memory_space<hbm>> -> memref<25600xi32, #tpu.memory_space<hbm>>
    %dma_start3A_3 = tpu.memref_slice %arg3[%mul3A_2] : memref<819200xi32, #tpu.memory_space<hbm>> -> memref<25600xi32, #tpu.memory_space<hbm>>
    tpu.enqueue_dma source(%dma_start3A_3 : memref<25600xi32, #tpu.memory_space<hbm>>) target(%arg5 : memref<25600xi32, #tpu.memory_space<vmem>>) target_semaphore(%arg11 : memref<!tpu.dma_semaphore, #tpu.memory_space<semaphore_mem>>)
    %dma_wait3A = tpu.memref_slice %arg3[%mul3A_2] : memref<819200xi32, #tpu.memory_space<hbm>> -> memref<25600xi32, #tpu.memory_space<hbm>>
    %dma_wait3A_4 = tpu.memref_slice %arg3[%mul3A_2] : memref<819200xi32, #tpu.memory_space<hbm>> -> memref<25600xi32, #tpu.memory_space<hbm>>
    tpu.wait_dma2 semaphore(%arg11 : memref<!tpu.dma_semaphore, #tpu.memory_space<semaphore_mem>>) src(%dma_wait3A_4 : memref<25600xi32, #tpu.memory_space<hbm>>) dst(%arg5 : memref<25600xi32, #tpu.memory_space<vmem>>)
    %scan3A = arith.constant 0 : i32
    %scan3A_5 = arith.constant 40 : i32
    %scan3A_6 = arith.addi %scan3A, %scan3A_5 : i32
    %scan3A_7 = arith.constant 1 : i32
    scf.for %scan3A_39 = %scan3A to %scan3A_6 step %scan3A_7  : i32 {
      %mul3A_40 = arith.constant 1 : i32
      %mul3A_41 = arith.muli %scan3A_39, %mul3A_40 : i32
      %add3A_42 = arith.constant 0 : i32
      %add3A_43 = arith.addi %add3A_42, %mul3A_41 : i32
      %gt3A = arith.constant 0 : i32
      %gt3A_44 = arith.cmpi sgt, %add3A_43, %gt3A : i32
      %convert_element_type3A = arith.extui %gt3A_44 : i1 to i32
      %cond3A = arith.constant 0 : i32
      %cond3A_45 = arith.cmpi ne, %convert_element_type3A, %cond3A : i32
      scf.if %cond3A_45 {
        %dma_wait3A_116 = arith.constant 0 : i32
        %dma_wait3A_117 = arith.constant 0 : i32
        %dma_wait3A_118 = tpu.memref_slice %arg2[%dma_wait3A_116, %dma_wait3A_117] : memref<100000x128xf32, #tpu.memory_space<hbm>> -> memref<128x128xf32, #tpu.memory_space<hbm>>
        %dma_wait3A_119 = arith.constant 0 : i32
        %dma_wait3A_120 = arith.constant 0 : i32
        %dma_wait3A_121 = tpu.memref_slice %arg2[%dma_wait3A_119, %dma_wait3A_120] : memref<100000x128xf32, #tpu.memory_space<hbm>> -> memref<128x128xf32, #tpu.memory_space<hbm>>
        tpu.wait_dma2 semaphore(%arg12 : memref<!tpu.dma_semaphore, #tpu.memory_space<semaphore_mem>>) src(%dma_wait3A_121 : memref<128x128xf32, #tpu.memory_space<hbm>>) dst(%arg6 : memref<128x128xf32, #tpu.memory_space<vmem>>)
      } else {
      }
      %mul3A_46 = arith.constant 5 : i32
      %mul3A_47 = arith.muli %add3A_43, %mul3A_46 : i32
      %add3A_48 = arith.constant 0 : i32
      %add3A_49 = arith.addi %mul3A_47, %add3A_48 : i32
      %mul3A_50 = arith.constant 128 : i32
      %mul3A_51 = arith.muli %add3A_49, %mul3A_50 : i32
      %dma_start3A_52 = tpu.memref_slice %arg5[%mul3A_51] : memref<25600xi32, #tpu.memory_space<vmem>> -> memref<128xi32, #tpu.memory_space<vmem>>
      %dma_start3A_53 = arith.constant 0 : i32
      %dma_start3A_54 = arith.constant 0 : i32
      %dma_start3A_55 = tpu.memref_slice %arg2[%dma_start3A_53, %dma_start3A_54] : memref<100000x128xf32, #tpu.memory_space<hbm>> -> memref<100000x128xf32, #tpu.memory_space<hbm>>
      tpu.enqueue_indirect_dma source(%dma_start3A_55 : memref<100000x128xf32, #tpu.memory_space<hbm>>) target(%arg6 : memref<128x128xf32, #tpu.memory_space<vmem>>) offsets(%dma_start3A_52 : memref<128xi32, #tpu.memory_space<vmem>>) semaphore(%arg12 : memref<!tpu.dma_semaphore, #tpu.memory_space<semaphore_mem>>)
      %gt3A_56 = arith.constant 0 : i32
      %gt3A_57 = arith.cmpi sgt, %add3A_43, %gt3A_56 : i32
      %convert_element_type3A_58 = arith.extui %gt3A_57 : i1 to i32
      %cond3A_59 = arith.constant 0 : i32
      %cond3A_60 = arith.cmpi ne, %convert_element_type3A_58, %cond3A_59 : i32
      scf.if %cond3A_60 {
        %dma_wait3A_116 = arith.constant 0 : i32
        %dma_wait3A_117 = arith.constant 0 : i32
        %dma_wait3A_118 = tpu.memref_slice %arg2[%dma_wait3A_116, %dma_wait3A_117] : memref<100000x128xf32, #tpu.memory_space<hbm>> -> memref<128x128xf32, #tpu.memory_space<hbm>>
        %dma_wait3A_119 = arith.constant 0 : i32
        %dma_wait3A_120 = arith.constant 0 : i32
        %dma_wait3A_121 = tpu.memref_slice %arg2[%dma_wait3A_119, %dma_wait3A_120] : memref<100000x128xf32, #tpu.memory_space<hbm>> -> memref<128x128xf32, #tpu.memory_space<hbm>>
        tpu.wait_dma2 semaphore(%arg13 : memref<!tpu.dma_semaphore, #tpu.memory_space<semaphore_mem>>) src(%dma_wait3A_121 : memref<128x128xf32, #tpu.memory_space<hbm>>) dst(%arg7 : memref<128x128xf32, #tpu.memory_space<vmem>>)
      } else {
      }
      %mul3A_61 = arith.constant 5 : i32
      %mul3A_62 = arith.muli %add3A_43, %mul3A_61 : i32
      %add3A_63 = arith.constant 1 : i32
      %add3A_64 = arith.addi %mul3A_62, %add3A_63 : i32
      %mul3A_65 = arith.constant 128 : i32
      %mul3A_66 = arith.muli %add3A_64, %mul3A_65 : i32
      %dma_start3A_67 = tpu.memref_slice %arg5[%mul3A_66] : memref<25600xi32, #tpu.memory_space<vmem>> -> memref<128xi32, #tpu.memory_space<vmem>>
      %dma_start3A_68 = arith.constant 0 : i32
      %dma_start3A_69 = arith.constant 0 : i32
      %dma_start3A_70 = tpu.memref_slice %arg2[%dma_start3A_68, %dma_start3A_69] : memref<100000x128xf32, #tpu.memory_space<hbm>> -> memref<100000x128xf32, #tpu.memory_space<hbm>>
      tpu.enqueue_indirect_dma source(%dma_start3A_70 : memref<100000x128xf32, #tpu.memory_space<hbm>>) target(%arg7 : memref<128x128xf32, #tpu.memory_space<vmem>>) offsets(%dma_start3A_67 : memref<128xi32, #tpu.memory_space<vmem>>) semaphore(%arg13 : memref<!tpu.dma_semaphore, #tpu.memory_space<semaphore_mem>>)
      %gt3A_71 = arith.constant 0 : i32
      %gt3A_72 = arith.cmpi sgt, %add3A_43, %gt3A_71 : i32
      %convert_element_type3A_73 = arith.extui %gt3A_72 : i1 to i32
      %cond3A_74 = arith.constant 0 : i32
      %cond3A_75 = arith.cmpi ne, %convert_element_type3A_73, %cond3A_74 : i32
      scf.if %cond3A_75 {
        %dma_wait3A_116 = arith.constant 0 : i32
        %dma_wait3A_117 = arith.constant 0 : i32
        %dma_wait3A_118 = tpu.memref_slice %arg2[%dma_wait3A_116, %dma_wait3A_117] : memref<100000x128xf32, #tpu.memory_space<hbm>> -> memref<128x128xf32, #tpu.memory_space<hbm>>
        %dma_wait3A_119 = arith.constant 0 : i32
        %dma_wait3A_120 = arith.constant 0 : i32
        %dma_wait3A_121 = tpu.memref_slice %arg2[%dma_wait3A_119, %dma_wait3A_120] : memref<100000x128xf32, #tpu.memory_space<hbm>> -> memref<128x128xf32, #tpu.memory_space<hbm>>
        tpu.wait_dma2 semaphore(%arg14 : memref<!tpu.dma_semaphore, #tpu.memory_space<semaphore_mem>>) src(%dma_wait3A_121 : memref<128x128xf32, #tpu.memory_space<hbm>>) dst(%arg8 : memref<128x128xf32, #tpu.memory_space<vmem>>)
      } else {
      }
      %mul3A_76 = arith.constant 5 : i32
      %mul3A_77 = arith.muli %add3A_43, %mul3A_76 : i32
      %add3A_78 = arith.constant 2 : i32
      %add3A_79 = arith.addi %mul3A_77, %add3A_78 : i32
      %mul3A_80 = arith.constant 128 : i32
      %mul3A_81 = arith.muli %add3A_79, %mul3A_80 : i32
      %dma_start3A_82 = tpu.memref_slice %arg5[%mul3A_81] : memref<25600xi32, #tpu.memory_space<vmem>> -> memref<128xi32, #tpu.memory_space<vmem>>
      %dma_start3A_83 = arith.constant 0 : i32
      %dma_start3A_84 = arith.constant 0 : i32
      %dma_start3A_85 = tpu.memref_slice %arg2[%dma_start3A_83, %dma_start3A_84] : memref<100000x128xf32, #tpu.memory_space<hbm>> -> memref<100000x128xf32, #tpu.memory_space<hbm>>
      tpu.enqueue_indirect_dma source(%dma_start3A_85 : memref<100000x128xf32, #tpu.memory_space<hbm>>) target(%arg8 : memref<128x128xf32, #tpu.memory_space<vmem>>) offsets(%dma_start3A_82 : memref<128xi32, #tpu.memory_space<vmem>>) semaphore(%arg14 : memref<!tpu.dma_semaphore, #tpu.memory_space<semaphore_mem>>)
      %gt3A_86 = arith.constant 0 : i32
      %gt3A_87 = arith.cmpi sgt, %add3A_43, %gt3A_86 : i32
      %convert_element_type3A_88 = arith.extui %gt3A_87 : i1 to i32
      %cond3A_89 = arith.constant 0 : i32
      %cond3A_90 = arith.cmpi ne, %convert_element_type3A_88, %cond3A_89 : i32
      scf.if %cond3A_90 {
        %dma_wait3A_116 = arith.constant 0 : i32
        %dma_wait3A_117 = arith.constant 0 : i32
        %dma_wait3A_118 = tpu.memref_slice %arg2[%dma_wait3A_116, %dma_wait3A_117] : memref<100000x128xf32, #tpu.memory_space<hbm>> -> memref<128x128xf32, #tpu.memory_space<hbm>>
        %dma_wait3A_119 = arith.constant 0 : i32
        %dma_wait3A_120 = arith.constant 0 : i32
        %dma_wait3A_121 = tpu.memref_slice %arg2[%dma_wait3A_119, %dma_wait3A_120] : memref<100000x128xf32, #tpu.memory_space<hbm>> -> memref<128x128xf32, #tpu.memory_space<hbm>>
        tpu.wait_dma2 semaphore(%arg15 : memref<!tpu.dma_semaphore, #tpu.memory_space<semaphore_mem>>) src(%dma_wait3A_121 : memref<128x128xf32, #tpu.memory_space<hbm>>) dst(%arg9 : memref<128x128xf32, #tpu.memory_space<vmem>>)
      } else {
      }
      %mul3A_91 = arith.constant 5 : i32
      %mul3A_92 = arith.muli %add3A_43, %mul3A_91 : i32
      %add3A_93 = arith.constant 3 : i32
      %add3A_94 = arith.addi %mul3A_92, %add3A_93 : i32
      %mul3A_95 = arith.constant 128 : i32
      %mul3A_96 = arith.muli %add3A_94, %mul3A_95 : i32
      %dma_start3A_97 = tpu.memref_slice %arg5[%mul3A_96] : memref<25600xi32, #tpu.memory_space<vmem>> -> memref<128xi32, #tpu.memory_space<vmem>>
      %dma_start3A_98 = arith.constant 0 : i32
      %dma_start3A_99 = arith.constant 0 : i32
      %dma_start3A_100 = tpu.memref_slice %arg2[%dma_start3A_98, %dma_start3A_99] : memref<100000x128xf32, #tpu.memory_space<hbm>> -> memref<100000x128xf32, #tpu.memory_space<hbm>>
      tpu.enqueue_indirect_dma source(%dma_start3A_100 : memref<100000x128xf32, #tpu.memory_space<hbm>>) target(%arg9 : memref<128x128xf32, #tpu.memory_space<vmem>>) offsets(%dma_start3A_97 : memref<128xi32, #tpu.memory_space<vmem>>) semaphore(%arg15 : memref<!tpu.dma_semaphore, #tpu.memory_space<semaphore_mem>>)
      %gt3A_101 = arith.constant 0 : i32
      %gt3A_102 = arith.cmpi sgt, %add3A_43, %gt3A_101 : i32
      %convert_element_type3A_103 = arith.extui %gt3A_102 : i1 to i32
      %cond3A_104 = arith.constant 0 : i32
      %cond3A_105 = arith.cmpi ne, %convert_element_type3A_103, %cond3A_104 : i32
      scf.if %cond3A_105 {
        %dma_wait3A_116 = arith.constant 0 : i32
        %dma_wait3A_117 = arith.constant 0 : i32
        %dma_wait3A_118 = tpu.memref_slice %arg2[%dma_wait3A_116, %dma_wait3A_117] : memref<100000x128xf32, #tpu.memory_space<hbm>> -> memref<128x128xf32, #tpu.memory_space<hbm>>
        %dma_wait3A_119 = arith.constant 0 : i32
        %dma_wait3A_120 = arith.constant 0 : i32
        %dma_wait3A_121 = tpu.memref_slice %arg2[%dma_wait3A_119, %dma_wait3A_120] : memref<100000x128xf32, #tpu.memory_space<hbm>> -> memref<128x128xf32, #tpu.memory_space<hbm>>
        tpu.wait_dma2 semaphore(%arg16 : memref<!tpu.dma_semaphore, #tpu.memory_space<semaphore_mem>>) src(%dma_wait3A_121 : memref<128x128xf32, #tpu.memory_space<hbm>>) dst(%arg10 : memref<128x128xf32, #tpu.memory_space<vmem>>)
      } else {
      }
      %mul3A_106 = arith.constant 5 : i32
      %mul3A_107 = arith.muli %add3A_43, %mul3A_106 : i32
      %add3A_108 = arith.constant 4 : i32
      %add3A_109 = arith.addi %mul3A_107, %add3A_108 : i32
      %mul3A_110 = arith.constant 128 : i32
      %mul3A_111 = arith.muli %add3A_109, %mul3A_110 : i32
      %dma_start3A_112 = tpu.memref_slice %arg5[%mul3A_111] : memref<25600xi32, #tpu.memory_space<vmem>> -> memref<128xi32, #tpu.memory_space<vmem>>
      %dma_start3A_113 = arith.constant 0 : i32
      %dma_start3A_114 = arith.constant 0 : i32
      %dma_start3A_115 = tpu.memref_slice %arg2[%dma_start3A_113, %dma_start3A_114] : memref<100000x128xf32, #tpu.memory_space<hbm>> -> memref<100000x128xf32, #tpu.memory_space<hbm>>
      tpu.enqueue_indirect_dma source(%dma_start3A_115 : memref<100000x128xf32, #tpu.memory_space<hbm>>) target(%arg10 : memref<128x128xf32, #tpu.memory_space<vmem>>) offsets(%dma_start3A_112 : memref<128xi32, #tpu.memory_space<vmem>>) semaphore(%arg16 : memref<!tpu.dma_semaphore, #tpu.memory_space<semaphore_mem>>)
    }
    %scan3A_8 = arith.constant 40 : i32
    %dma_wait3A_9 = arith.constant 0 : i32
    %dma_wait3A_10 = arith.constant 0 : i32
    %dma_wait3A_11 = tpu.memref_slice %arg2[%dma_wait3A_9, %dma_wait3A_10] : memref<100000x128xf32, #tpu.memory_space<hbm>> -> memref<128x128xf32, #tpu.memory_space<hbm>>
    %dma_wait3A_12 = arith.constant 0 : i32
    %dma_wait3A_13 = arith.constant 0 : i32
    %dma_wait3A_14 = tpu.memref_slice %arg2[%dma_wait3A_12, %dma_wait3A_13] : memref<100000x128xf32, #tpu.memory_space<hbm>> -> memref<128x128xf32, #tpu.memory_space<hbm>>
    tpu.wait_dma2 semaphore(%arg12 : memref<!tpu.dma_semaphore, #tpu.memory_space<semaphore_mem>>) src(%dma_wait3A_14 : memref<128x128xf32, #tpu.memory_space<hbm>>) dst(%arg6 : memref<128x128xf32, #tpu.memory_space<vmem>>)
    %dma_wait3A_15 = arith.constant 0 : i32
    %dma_wait3A_16 = arith.constant 0 : i32
    %dma_wait3A_17 = tpu.memref_slice %arg2[%dma_wait3A_15, %dma_wait3A_16] : memref<100000x128xf32, #tpu.memory_space<hbm>> -> memref<128x128xf32, #tpu.memory_space<hbm>>
    %dma_wait3A_18 = arith.constant 0 : i32
    %dma_wait3A_19 = arith.constant 0 : i32
    %dma_wait3A_20 = tpu.memref_slice %arg2[%dma_wait3A_18, %dma_wait3A_19] : memref<100000x128xf32, #tpu.memory_space<hbm>> -> memref<128x128xf32, #tpu.memory_space<hbm>>
    tpu.wait_dma2 semaphore(%arg13 : memref<!tpu.dma_semaphore, #tpu.memory_space<semaphore_mem>>) src(%dma_wait3A_20 : memref<128x128xf32, #tpu.memory_space<hbm>>) dst(%arg7 : memref<128x128xf32, #tpu.memory_space<vmem>>)
    %dma_wait3A_21 = arith.constant 0 : i32
    %dma_wait3A_22 = arith.constant 0 : i32
    %dma_wait3A_23 = tpu.memref_slice %arg2[%dma_wait3A_21, %dma_wait3A_22] : memref<100000x128xf32, #tpu.memory_space<hbm>> -> memref<128x128xf32, #tpu.memory_space<hbm>>
    %dma_wait3A_24 = arith.constant 0 : i32
    %dma_wait3A_25 = arith.constant 0 : i32
    %dma_wait3A_26 = tpu.memref_slice %arg2[%dma_wait3A_24, %dma_wait3A_25] : memref<100000x128xf32, #tpu.memory_space<hbm>> -> memref<128x128xf32, #tpu.memory_space<hbm>>
    tpu.wait_dma2 semaphore(%arg14 : memref<!tpu.dma_semaphore, #tpu.memory_space<semaphore_mem>>) src(%dma_wait3A_26 : memref<128x128xf32, #tpu.memory_space<hbm>>) dst(%arg8 : memref<128x128xf32, #tpu.memory_space<vmem>>)
    %dma_wait3A_27 = arith.constant 0 : i32
    %dma_wait3A_28 = arith.constant 0 : i32
    %dma_wait3A_29 = tpu.memref_slice %arg2[%dma_wait3A_27, %dma_wait3A_28] : memref<100000x128xf32, #tpu.memory_space<hbm>> -> memref<128x128xf32, #tpu.memory_space<hbm>>
    %dma_wait3A_30 = arith.constant 0 : i32
    %dma_wait3A_31 = arith.constant 0 : i32
    %dma_wait3A_32 = tpu.memref_slice %arg2[%dma_wait3A_30, %dma_wait3A_31] : memref<100000x128xf32, #tpu.memory_space<hbm>> -> memref<128x128xf32, #tpu.memory_space<hbm>>
    tpu.wait_dma2 semaphore(%arg15 : memref<!tpu.dma_semaphore, #tpu.memory_space<semaphore_mem>>) src(%dma_wait3A_32 : memref<128x128xf32, #tpu.memory_space<hbm>>) dst(%arg9 : memref<128x128xf32, #tpu.memory_space<vmem>>)
    %dma_wait3A_33 = arith.constant 0 : i32
    %dma_wait3A_34 = arith.constant 0 : i32
    %dma_wait3A_35 = tpu.memref_slice %arg2[%dma_wait3A_33, %dma_wait3A_34] : memref<100000x128xf32, #tpu.memory_space<hbm>> -> memref<128x128xf32, #tpu.memory_space<hbm>>
    %dma_wait3A_36 = arith.constant 0 : i32
    %dma_wait3A_37 = arith.constant 0 : i32
    %dma_wait3A_38 = tpu.memref_slice %arg2[%dma_wait3A_36, %dma_wait3A_37] : memref<100000x128xf32, #tpu.memory_space<hbm>> -> memref<128x128xf32, #tpu.memory_space<hbm>>
    tpu.wait_dma2 semaphore(%arg16 : memref<!tpu.dma_semaphore, #tpu.memory_space<semaphore_mem>>) src(%dma_wait3A_38 : memref<128x128xf32, #tpu.memory_space<hbm>>) dst(%arg10 : memref<128x128xf32, #tpu.memory_space<vmem>>)
    return
  }
}

module attributes {stable_mosaic.version = 14 : i64} {
  func.func @_scale_body(%arg0: i32, %arg1: memref<10000x128xf32, #tpu.memory_space<vmem>>, %arg2: memref<10000x128xf32, #tpu.memory_space<vmem>>) attributes {dimension_semantics = [#tpu.dimension_semantics<arbitrary>], iteration_bounds = array<i64: 10>, scalar_prefetch = 0 : i64, scratch_operands = 0 : i64, tpu.core_type = #tpu.core_type<tc>, window_params = [{transform_indices = @transform_0, window_bounds = array<i64: 10000, 128>}, {transform_indices = @transform_1, window_bounds = array<i64: 10000, 128>}]} {
    %get3A = arith.constant 0 : index
    %get3A_0 = arith.constant 0 : index
    %get3A_1 = vector.load %arg1[%get3A, %get3A_0] : memref<10000x128xf32, #tpu.memory_space<vmem>>, vector<10000x128xf32>
    %mul3A = arith.constant 11.3137083 : f32
    %mul3A_2 = vector.broadcast %mul3A : f32 to vector<10000x128xf32>
    %mul3A_3 = arith.mulf %get3A_1, %mul3A_2 : vector<10000x128xf32>
    %swap3A = arith.constant 0 : index
    %swap3A_4 = arith.constant 0 : index
    %swap3A_5 = vector.load %arg2[%swap3A, %swap3A_4] : memref<10000x128xf32, #tpu.memory_space<vmem>>, vector<10000x128xf32>
    tpu.vector_store %arg2[%swap3A, %swap3A_4], %mul3A_3 {strides = array<i32>} : memref<10000x128xf32, #tpu.memory_space<vmem>>, vector<10000x128xf32>,
    return
  }
  func.func @transform_0(%arg0: i32) -> (i32, i32) {
    %c0_i32 = arith.constant 0 : i32
    %c0_i32_0 = arith.constant 0 : i32
    return %arg0, %c0_i32 : i32, i32
  }
  func.func @transform_1(%arg0: i32) -> (i32, i32) {
    %c0_i32 = arith.constant 0 : i32
    %c0_i32_0 = arith.constant 0 : i32
    return %arg0, %c0_i32 : i32, i32
  }
}

</mosaic_0001>

<sc_bundles>
// kernel: kernel.4.cloned.1.call-start
scs
__scs_entry_jumppad:
0x0: {  	(pc) =	sbr.rel $0x88, $3  }
0x1: {  	(tag) =	ssettag $0x0;
	lr =	simm.s32 $0x1  }
0x2: {  	[smem:$0x3F9F] =	sst lr;
	_ =	strace $0xD0000000  }
0x3: {  	_ = 	snop  }
0x4: {  	_ = 	snop  }
0x5: {  	_ = 	snop  }
0x6: {  	_ = 	snop  }
0x7: {  	_ = 	snop  }
__scs_overlays_trampoline_lowered:
0x8: {  	[smem:$0x3FAE] =	sst s0  }
0x9: {  	[smem:$0x3FAF] =	sst s1  }
0xa: {  	[smem:$0x3FB0] =	sst s2  }
0xb: {  	[smem:$0x3FB1] =	sst s3  }
0xc: {  	[smem:$0x3FB2] =	sst s4  }
0xd: {  	[smem:$0x3FB3] =	sst s5  }
0xe: {  	[smem:$0x3FB4] =	sst s6  }
0xf: {  	[smem:$0x3FB5] =	sst s7  }
0x10: {  	[smem:$0x3FB6] =	sst s8  }
0x11: {  	[smem:$0x3FB7] =	sst s9;
	s0 =	simm.s32 @!p0 $0x0  }
0x12: {  	s1 =	sld [smem:$0x3F9D];
	s0 =	simm.s32 @p0 $0x1  }
0x13: {  	[smem:$0x3FB8] =	sst s0;
	s0 =	simm.s32 @!p1 $0x0  }
0x14: {  	s2 =	sld [smem:$0x3F9C];
	s0 =	simm.s32 @p1 $0x1  }
0x15: {  	[smem:$0x3FB9] =	sst s0;
	s0 =	simm.s32 @!p2 $0x0  }
0x16: {  	s3 =	sld [smem:$0x3FDB];
	s0 =	simm.s32 @p2 $0x1  }
0x17: {  	s4 =	simm.s32 $0x1BF5;
	[smem:$0x3FBB] =	sst s0  }
0x18: {  	s0 =	sld [smem:$0x3F9E];
	_ =	swait.ge [sflag:s4], $0x0  }
0x19: {  	s7 =	sld [smem:$0x3F9F]  }
0x1a: {  	s8 =	sadd.s32 $0xFFFFE003, lr  }
0x1b: {  	s9 =	sadd.s32 $0xFFFFFEF7, lr;
	s5 =	simm.s32 $0xFFFFFFFF;
	p2 =	slt.u32 s8, $0xFFFFF086  }
0x1c: {  	p1 =	slt.u32 s9, $0xF7A;
	s5 =	simm.s32 @!p2 $0x0  }
0x1d: {  	s5 =	simm.s32 @p1 $0x1;
	p0 =	seq.s32 s7, s2  }
0x1e: {  	s7 =	smul.u32 @!p0 $0xF7A, s2;
	p2 =	seq.s32 @!p0 s5, $0x0  }
0x1f: {  	s9 =	smul.u32 $0xF7A, s1;
	s8 =	simm.s32 @!p0 $0x1BF5;
	p2 =	por !p2, p0  }
0x20: {  	[sflag:s8] =	ssyncset.s32 @!p0 $0xFFFFF086;
	s6 =	sadd.s32 @!p0 s3, s7;
	s7 =	simm.s32 @!p0 $0x108  }
0x21: {  	s3 =	sadd.s32 s3, s9;
	s6 =	sadd.s32 @!p0 $0x88, s6;
	s7 =	simm.s32 @p2 $0x1082  }
0x22: {  	[simem:s7], [sflag:s8] =	dma.local @!p0 [hbm:s6], $0xF7A  }
0x23: {  	s9 =	sor.u32 $0xD0000000, s2;
	s6 =	simm.s32 $0x108;
	_ =	swait.ge @!p0 [sflag:s8], $0x0  }
0x24: {  	s3 =	sadd.s32 $0x88, s3;
	s6 =	simm.s32 @!p1 $0x1082;
	[sflag:s4] =	ssyncset.s32 $0xFFFFF086  }
0x25: {  	[simem:s6], [sflag:s4] =	dma.local [hbm:s3], $0xF7A  }
0x26: {  	[smem:$0x3F9F] =	sst s1;
	(tag) =	ssettag s2;
	_ =	strace s9  }
0x27: {  	s1 =	sld [smem:$0x3FAF]  }
0x28: {  	s2 =	sld [smem:$0x3FB0]  }
0x29: {  	s4 =	sld [smem:$0x3FB2]  }
0x2a: {  	p0 =	seq.s32 s5, $0x0;
	s5 =	sld [smem:$0x3FB3]  }
0x2b: {  	s6 =	sld [smem:$0x3FB4]  }
0x2c: {  	s7 =	sld [smem:$0x3FB5]  }
0x2d: {  	s3 =	simm.s32 $0x108;
	s8 =	sld [smem:$0x3FB6]  }
0x2e: {  	s3 =	simm.s32 @!p0 $0x1082;
	s9 =	sld [smem:$0x3FB7]  }
0x2f: {  	lr =	sadd.s32 s0, s3;
	s0 =	sld [smem:$0x3FAE]  }
0x30: {  	s3 =	sld [smem:$0x3FB1]  }
0x31: {  	[smem:$0x3FBA] =	sst s10  }
0x32: {  	s10 =	sld [smem:$0x3FB8];
	_ =	sdelay $0x3  }
0x33: {  	p0 =	seq.s32 s10, $0x1;
	s10 =	sld [smem:$0x3FBA];
	_ =	sdelay $0x3  }
0x34: {  	[smem:$0x3FBA] =	sst s10  }
0x35: {  	s10 =	sld [smem:$0x3FB9];
	_ =	sdelay $0x3  }
0x36: {  	p1 =	seq.s32 s10, $0x1;
	s10 =	sld [smem:$0x3FBA];
	_ =	sdelay $0x3  }
0x37: {  	[smem:$0x3FBA] =	sst s10  }
0x38: {  	s10 =	sld [smem:$0x3FBB]  }
0x39: {  	_ = 	snop;
	(pc) =	sbr.ind lr, $3  }
0x3a: {  	_ = 	snop  }
0x3b: {  	_ = 	snop  }
0x3c: {  	p2 =	seq.s32 s10, $0x1;
	s10 =	sld [smem:$0x3FBA]  }
0x3d: {  	_ =	shalt  }
0x3e: {  	_ =	shalt  }
0x3f: {  	_ =	shalt  }
0x40: {  	_ =	shalt  }
0x41: {  	_ =	shalt  }
0x42: {  	_ =	shalt  }
0x43: {  	_ =	shalt  }
0x44: {  	_ =	shalt  }
0x45: {  	_ =	shalt  }
0x46: {  	_ =	shalt  }
0x47: {  	_ =	shalt  }
0x48: {  	_ =	shalt  }
0x49: {  	_ =	shalt  }
0x4a: {  	_ =	shalt  }
0x4b: {  	_ =	shalt  }
0x4c: {  	_ =	shalt  }
0x4d: {  	_ =	shalt  }
0x4e: {  	_ =	shalt  }
0x4f: {  	_ =	shalt  }
0x50: {  	_ =	shalt  }
0x51: {  	_ =	shalt  }
0x52: {  	_ =	shalt  }
0x53: {  	_ =	shalt  }
0x54: {  	_ =	shalt  }
0x55: {  	_ =	shalt  }
0x56: {  	_ =	shalt  }
0x57: {  	_ =	shalt  }
0x58: {  	_ =	shalt  }
0x59: {  	_ =	shalt  }
0x5a: {  	_ =	shalt  }
0x5b: {  	_ =	shalt  }
0x5c: {  	_ =	shalt  }
0x5d: {  	_ =	shalt  }
0x5e: {  	_ =	shalt  }
0x5f: {  	_ =	shalt  }
0x60: {  	_ =	shalt  }
0x61: {  	_ =	shalt  }
0x62: {  	_ =	shalt  }
0x63: {  	_ =	shalt  }
0x64: {  	_ =	shalt  }
0x65: {  	_ =	shalt  }
0x66: {  	_ =	shalt  }
0x67: {  	_ =	shalt  }
0x68: {  	_ =	shalt  }
0x69: {  	_ =	shalt  }
0x6a: {  	_ =	shalt  }
0x6b: {  	_ =	shalt  }
0x6c: {  	_ =	shalt  }
0x6d: {  	_ =	shalt  }
0x6e: {  	_ =	shalt  }
0x6f: {  	_ =	shalt  }
0x70: {  	_ =	shalt  }
0x71: {  	_ =	shalt  }
0x72: {  	_ =	shalt  }
0x73: {  	_ =	shalt  }
0x74: {  	_ =	shalt  }
0x75: {  	_ =	shalt  }
0x76: {  	_ =	shalt  }
0x77: {  	_ =	shalt  }
0x78: {  	_ =	shalt  }
0x79: {  	_ =	shalt  }
0x7a: {  	_ =	shalt  }
0x7b: {  	_ =	shalt  }
0x7c: {  	_ =	shalt  }
0x7d: {  	_ =	shalt  }
0x7e: {  	_ =	shalt  }
0x7f: {  	_ =	shalt  }
0x80: {  	_ =	shalt  }
0x81: {  	_ =	shalt  }
0x82: {  	_ =	shalt  }
0x83: {  	_ =	shalt  }
0x84: {  	_ =	shalt  }
0x85: {  	_ =	shalt  }
0x86: {  	_ =	shalt  }
0x87: {  	_ =	shalt  }
.Lfunc_end0:
.L_simem_size_0:
called_computation_lowered:
.L_overlay_start_0:
0x88: {  	s2 =	sld [smem:$0x3FD9]  }
0x89: {  	s3 =	sld [smem:$0x3FFE];
	_ =	sdelay $0x1  }
0x8a: {  	s1 =	srdreg.scid  }
0x8b: {  	s0 =	sand.u32 $0x1, s1  }
0x8c: {  	s16 =	sshll.u32 s0, $0xA;
	s2 =	sadd.s32 s3, s2  }
0x8d: {  	s2 =	sadd.s32 s2, s16  }
0x8e: {  	[smem:$0x3FC6] =	sst s2  }
0x8f: {  	_ = 	snop  }
0x90: {  	(tm) =	ssettm $0x1  }
0x91: {  	s17 =	sld [smem:$0x3FFB];
	_ =	sdelay $0x3  }
0x92: {  	_ =	strace s17  }
0x93: {  	s2 =	sld [smem:$0x3FFC];
	_ =	sdelay $0x3  }
0x94: {  	_ =	strace s2  }
0x95: {  	s2 =	sld [smem:$0x3FFD];
	_ =	sdelay $0x3  }
0x96: {  	_ =	strace s2  }
0x97: {  	_ =	strace $0x8FFFFFFF  }
0x98: {  	s18 =	sld [smem:$0x3FDB];
	_ =	sdelay $0x1  }
0x99: {  	s19 =	simm.s32 $_scs_section_size  }
0x9a: {  	s4 =	simm.s32 $_size__tile_overlayer_lowered;
	s5 =	simm.s32 $_tile_overlayer_lowered  }
0x9b: {  	s22 =	simm.s32 $0x1BFF;
	s21 =	sshll.u32 s5, $0x1;
	s2 =	sadd.s32 s19, s18  }
0x9c: {  	s6 =	simm.s32 $0x0;
	s20 =	sshll.u32 s4, $0x1;
	s4 =	sadd.s32 s21, s2  }
0x9d: {  	[timem:s6], [sflag:s22] =	dma.local [hbm:s4], s20  }
0x9e: {  	_ =	swait.ge [sflag:s22], s20  }
0x9f: {  	s3 =	ssub.s32 $0x0, s20;
	[sflag:s22] =	ssyncset.done $0x0  }
0xa0: {  	[sflag:s22] =	ssyncadd.s32 s3;
	_ =	sdelay $0x1  }
0xa1: {  	s23 =	simm.s32 $0x1B8B  }
0xa2: {  	_ =	swait.ge [sflag:s23], $0x1  }
0xa3: {  	[sflag:s23] =	ssyncset.done $0x0  }
0xa4: {  	s25 =	simm.s32 $0x1B8E;
	s24 =	sld [smem:$0x3FFE];
	[sflag:s23] =	ssyncadd.s32 $0xFFFFFFFF  }
0xa5: {  	s26 =	simm.s32 $execute0_lowered;
	[smem:$0x3FD2] =	sst s25  }
0xa6: {  	s4 =	sshll.u32 s26, $0x1;
	_ =	strace $0x80000046;
	[dreg:$0x1] =	wrdreg $0xFFFFFFFF  }
0xa7: {  	s28 =	simm.s32 $_size_execute0_lowered;
	s2 =	sadd.s32 s2, s4;
	[dreg:$0x0] =	wrdreg $0x0  }
0xa8: {  	s4 =	sshll.u32 s28, $0x1;
	[dreg:$0x2] =	wrdreg s2  }
0xa9: {  	[dreg:$0x3] =	wrdreg s4  }
0xaa: {  	[dreg:$0x4] =	wrdreg $0xC0  }
0xab: {  	_ =	task [dreg:s6], $0x5FFFF  }
0xac: {  	[dreg:$0x1] =	wrdreg $0xFFFFFFFF  }
0xad: {  	[dreg:$0x0] =	wrdreg $0x60  }
0xae: {  	[dreg:$0x2] =	wrdreg s24  }
0xaf: {  	[dreg:$0x3] =	wrdreg $0x9  }
0xb0: {  	_ =	task.clear_ibuf [dreg:s6], $0x4FFFF;
	_ =	strace $0x90000046  }
0xb1: {  	s29 =	simm.s32 $0x9;
	_ =	strace $0x80000048  }
0xb2: {  	_ =	swait.ge [sflag:s29], $0x1  }
0xb3: {  	[sflag:s29] =	ssyncadd.s32 $0xFFFFFFFF  }
0xb4: {  	_ =	strace $0x90000048  }
0xb5: {  	_ =	sfence  }
0xb6: {  	s30 =	sld [smem:$0x0];
	_ =	sdelay $0x2  }
0xb7: {  	s31 =	sshll.u32 s1, $0xD;
	s1 =	sshrl.u32 s1, $0x2  }
0xb8: {  	s3 =	sand.u32 $0x4000, s31;
	s1 =	sadd.s32 s1, s30  }
0xb9: {  	s0 =	sor.u32 s3, s0;
	s1 =	sshll.u32 s1, $0x11  }
0xba: {  	s0 =	sor.u32 s1, s0  }
0xbb: {  	s0 =	sadd.s32 $0x8F2B, s0  }
0xbc: {  	[sflag:s0] =	ssyncadd.remote.s32 $0x1  }
0xbd: {  	_ =	sfence.sel $0xFFFF  }
0xbe: {  	[dreg:$0x0] =	wrdreg $0xFFFFFFFF;
	(pc) =	sbr.abs _section_cstart, $3  }
0xbf: {  	[dreg:$0x1] =	wrdreg $0xFFFFFFFF  }
0xc0: {  	_ =	task.clear_ibuf [dreg:s6], $0x2FFFF;
	_ =	strace $0x9FFFFFFF  }
0xc1: {  	(tm) =	ssettm $0x7FFFFFFF  }
tec
execute0_lowered:
.L_overlay_start_1:
0x0: {  	(tag) =	ssettag $0x1  }
0x1: {  	s1 =	srdreg.scid  }
0x2: {  	s0 =	stileid.u32;
	s4 =	rddreg [dreg:$0x0];
	s2 =	simm.s32 $0x0  }
0x3: {  	s8 =	simm.s32 $0x6400;
	s9 =	simm.s32 $0xA400;
	s10 =	simm.s32 $0x100  }
0x4: {  	s11 =	simm.s32 $0xE400;
	s12 =	simm.s32 $0x180;
	s13 =	simm.s32 $0x12400  }
0x5: {  	s14 =	simm.s32 $0x200;
	s15 =	simm.s32 $0x16400;
	s16 =	simm.s32 $0x2  }
0x6: {  	s17 =	simm.s32 $0x3;
	s18 =	simm.s32 $0x4;
	s19 =	simm.s32 $0x5  }
0x7: {  	s20 =	simm.s32 $0x6;
	s3 =	sand.u32 $0x1, s1;
	s5 =	sshll.u32 s0, $0x1  }
0x8: {  	s21 =	simm.s32 $0x0;
	s1 =	rddreg [dreg:$0x1];
	s5 =	sor.u32 s3, s5  }
0x9: {  	[smem:$0x7FF] =	sst s2;
	s6 =	ssub.s32 $0x2, s3;
	s5 =	smul.u32 $0xC80, s5  }
0xa: {  	_ =	strace $0x80000047;
	s3 =	sadd.s32 $0x19400, s4;
	s7 =	sshrl.u32 s6, $0x1  }
0xb: {  	s31 =	ssub.s32 s6, s7;
	s6 =	simm.s32 $0x1;
	s4 =	sadd.s32 s5, s4  }
0xc: {  	s7 =	simm.s32 $0x80;
	s5 =	smax.u32 s31, $0x1;
	s4 =	sadd.s32 $0x400, s4  }
.LBB2_1:
0xd: {  	[tilespmem:s2], [sflag:$0x1] =	stream.linear.gather [hbm4b:s4+s2], $0x6400, $0x38;
	[tilespmem:$0x1A400] =	vst v63  }
0xe: {  	_ =	swait.ge [sflag:s6], $0x6400  }
0xf: {  	[sflag:s6] =	ssyncset.done $0x0  }
0x10: {  	[sflag:s6] =	ssyncadd.s32 $0xFFFF9C00  }
0x11: {  	[tilespmem:s8], [sflag:$0x2] =	stream.indirect.gather [hbm4b:s3+s7], $0x80, s2, s7, $0xb8;
	[tilespmem:$0x1A400] =	vst v63  }
0x12: {  	_ = 	snop  }
0x13: {  	[tilespmem:s9], [sflag:$0x3] =	stream.indirect.gather [hbm4b:s3+s7], $0x80, s7, s7, $0xb8;
	[tilespmem:$0x1A400] =	vst v63  }
0x14: {  	_ = 	snop  }
0x15: {  	[tilespmem:s11], [sflag:$0x4] =	stream.indirect.gather [hbm4b:s3+s7], $0x80, s10, s7, $0xb8;
	[tilespmem:$0x1A400] =	vst v63  }
0x16: {  	_ = 	snop  }
0x17: {  	[tilespmem:s13], [sflag:$0x5] =	stream.indirect.gather [hbm4b:s3+s7], $0x80, s12, s7, $0xb8;
	[tilespmem:$0x1A400] =	vst v63  }
0x18: {  	_ = 	snop  }
0x19: {  	[tilespmem:s15], [sflag:$0x6] =	stream.indirect.gather [hbm4b:s3+s7], $0x80, s14, s7, $0xb8;
	[tilespmem:$0x1A400] =	vst v63  }
0x1a: {  	_ =	swait.ge [sflag:s16], $0x4000  }
0x1b: {  	[sflag:s16] =	ssyncset.done $0x0  }
0x1c: {  	s22 =	simm.s32 $0x280;
	[sflag:s16] =	ssyncadd.s32 $0xFFFFC000  }
0x1d: {  	[tilespmem:s8], [sflag:$0x2] =	stream.indirect.gather [hbm4b:s3+s7], $0x80, s22, s7, $0xb8;
	[tilespmem:$0x1A400] =	vst v63  }
0x1e: {  	_ =	swait.ge [sflag:s17], $0x4000  }
0x1f: {  	[sflag:s17] =	ssyncset.done $0x0  }
0x20: {  	s29 =	simm.s32 $0x300;
	[sflag:s17] =	ssyncadd.s32 $0xFFFFC000  }
0x21: {  	[tilespmem:s9], [sflag:$0x3] =	stream.indirect.gather [hbm4b:s3+s7], $0x80, s29, s7, $0xb8;
	[tilespmem:$0x1A400] =	vst v63  }
0x22: {  	_ =	swait.ge [sflag:s18], $0x4000  }
0x23: {  	[sflag:s18] =	ssyncset.done $0x0  }
0x24: {  	s30 =	simm.s32 $0x380;
	[sflag:s18] =	ssyncadd.s32 $0xFFFFC000  }
0x25: {  	[tilespmem:s11], [sflag:$0x4] =	stream.indirect.gather [hbm4b:s3+s7], $0x80, s30, s7, $0xb8;
	[tilespmem:$0x1A400] =	vst v63  }
0x26: {  	_ =	swait.ge [sflag:s19], $0x4000  }
0x27: {  	[sflag:s19] =	ssyncset.done $0x0  }
0x28: {  	s31 =	simm.s32 $0x400;
	[sflag:s19] =	ssyncadd.s32 $0xFFFFC000  }
0x29: {  	[tilespmem:s13], [sflag:$0x5] =	stream.indirect.gather [hbm4b:s3+s7], $0x80, s31, s7, $0xb8;
	[tilespmem:$0x1A400] =	vst v63  }
0x2a: {  	_ =	swait.ge [sflag:s20], $0x4000  }
0x2b: {  	[sflag:s20] =	ssyncset.done $0x0  }
0x2c: {  	s23 =	simm.s32 $0x480;
	s22 =	simm.s32 $0xFFFE8400;
	[sflag:s20] =	ssyncadd.s32 $0xFFFFC000  }
.LBB2_2:
0x2d: {  	[tilespmem:s15], [sflag:$0x6] =	stream.indirect.gather [hbm4b:s3+s7], $0x80, s23, s7, $0xb8;
	[tilespmem:$0x1A400] =	vst v63  }
0x2e: {  	s23 =	smov.u32 s22  }
0x2f: {  	p0 =	sne.s32 s22, $0xFFFFF600;
	s22 =	sadd.s32 $0xA00, s22;
	_ =	swait.ge [sflag:s16], $0x4000  }
0x30: {  	s23 =	sshra.s32 s23, $0x2;
	[sflag:s16] =	ssyncset.done $0x0  }
0x31: {  	s24 =	sadd.s32 $0x6400, s23;
	[sflag:s16] =	ssyncadd.s32 $0xFFFFC000  }
0x32: {  	[tilespmem:s8], [sflag:$0x2] =	stream.indirect.gather [hbm4b:s3+s7], $0x80, s24, s7, $0xb8;
	[tilespmem:$0x1A400] =	vst v63  }
0x33: {  	_ =	swait.ge [sflag:s17], $0x4000  }
0x34: {  	[sflag:s17] =	ssyncset.done $0x0  }
0x35: {  	s24 =	sadd.s32 $0x6480, s23;
	[sflag:s17] =	ssyncadd.s32 $0xFFFFC000  }
0x36: {  	[tilespmem:s9], [sflag:$0x3] =	stream.indirect.gather [hbm4b:s3+s7], $0x80, s24, s7, $0xb8;
	[tilespmem:$0x1A400] =	vst v63  }
0x37: {  	_ =	swait.ge [sflag:s18], $0x4000  }
0x38: {  	[sflag:s18] =	ssyncset.done $0x0  }
0x39: {  	s24 =	sadd.s32 $0x6500, s23;
	[sflag:s18] =	ssyncadd.s32 $0xFFFFC000  }
0x3a: {  	[tilespmem:s11], [sflag:$0x4] =	stream.indirect.gather [hbm4b:s3+s7], $0x80, s24, s7, $0xb8;
	[tilespmem:$0x1A400] =	vst v63  }
0x3b: {  	_ =	swait.ge [sflag:s19], $0x4000  }
0x3c: {  	[sflag:s19] =	ssyncset.done $0x0  }
.Ltmp0:
0x3d: {  	s24 =	sadd.s32 $0x6580, s23;
	[sflag:s19] =	ssyncadd.s32 $0xFFFFC000;
	(pc) =	sbr.rel @p0 .LBB2_2-.Ltmp0, $4  }
0x3e: {  	[tilespmem:s13], [sflag:$0x5] =	stream.indirect.gather [hbm4b:s3+s7], $0x80, s24, s7, $0xb8;
	[tilespmem:$0x1A400] =	vst v63  }
0x3f: {  	_ =	swait.ge [sflag:s20], $0x4000  }
0x40: {  	[sflag:s20] =	ssyncset.done $0x0  }
0x41: {  	s23 =	sadd.s32 $0x6600, s23;
	[sflag:s20] =	ssyncadd.s32 $0xFFFFC000  }
0x42: {  	[tilespmem:s15], [sflag:$0x6] =	stream.indirect.gather [hbm4b:s3+s7], $0x80, s23, s7, $0xb8;
	[tilespmem:$0x1A400] =	vst v63  }
0x43: {  	_ =	swait.ge [sflag:s16], $0x4000  }
0x44: {  	[sflag:s16] =	ssyncset.done $0x0  }
0x45: {  	[sflag:s16] =	ssyncadd.s32 $0xFFFFC000  }
0x46: {  	_ =	swait.ge [sflag:s17], $0x4000  }
0x47: {  	[sflag:s17] =	ssyncset.done $0x0  }
0x48: {  	[sflag:s17] =	ssyncadd.s32 $0xFFFFC000  }
0x49: {  	_ =	swait.ge [sflag:s18], $0x4000  }
0x4a: {  	[sflag:s18] =	ssyncset.done $0x0  }
0x4b: {  	s21 =	sadd.s32 $0x1, s21;
	[sflag:s18] =	ssyncadd.s32 $0xFFFFC000  }
0x4c: {  	p0 =	sne.s32 s21, s5;
	_ =	swait.ge [sflag:s19], $0x4000  }
.Ltmp1:
0x4d: {  	[sflag:s19] =	ssyncset.done $0x0;
	(pc) =	sbr.rel @p0 .LBB2_1-.Ltmp1, $4  }
0x4e: {  	[sflag:s19] =	ssyncadd.s32 $0xFFFFC000  }
0x4f: {  	_ =	swait.ge [sflag:s20], $0x4000  }
0x50: {  	[sflag:s20] =	ssyncset.done $0x0  }
0x51: {  	[sflag:s20] =	ssyncadd.s32 $0xFFFFC000  }
0x52: {  	_ =	sfence.sel $0x180000  }
0x53: {  	[bflag:$0x0] =	sbarrier.arrive $0xFFFF  }
0x54: {  	p0 =	sne.s32 s0, $0x0;
	_ =	strace $0x90000047  }
0x55: {  	s0 =	sadd.s32 @!p0 $0x100000, s1;
	[bflag:$0x2] =	sbarrier.arrive $0xFFFF  }
0x56: {  	[sflag:s0] =	ssyncadd.tile.s32 @!p0 $0x1;
	_ =	shalt  }
.Lfunc_end2:
_tile_overlayer_lowered:
.L_overlay_start_2:
0x57: {  	(tag) =	ssettag $0x2  }
0x58: {  	s0 =	rddreg [dreg:$0x0];
	s2 =	stileid.u32  }
0x59: {  	s1 =	rddreg [dreg:$0x1];
	p0 =	sne.s32 s2, $0x0  }
0x5a: {  	s3 =	rddreg [dreg:$0x2];
	[bflag:$0x3] =	sbarrier.arrive $0xFFFF;
	s2 =	simm.s32 @!p0 $0x1C07  }
0x5b: {  	[timem:s3], [sflag:s2] =	dma.local @!p0 [hbm:s0], s1  }
0x5c: {  	s0 =	simm.s32 @!p0 $0x7  }
0x5d: {  	_ =	swait.ge @!p0 [sflag:s0], s1  }
0x5e: {  	s1 =	ssub.s32 @!p0 $0x0, s1;
	[sflag:s0] =	ssyncset.done @!p0 $0x0  }
0x5f: {  	[sflag:s0] =	ssyncadd.s32 @!p0 s1  }
0x60: {  	[bflag:$0x3] =	sbarrier.arrive $0xFFFF  }
0x61: {  	_ =	shalt  }

</sc_bundles>
